<compile_context>
chip_gen: v7x
topology: tpu7x:2x2x1
jax: 0.10.2.dev20260603
libtpu: 0.0.44.dev20260713+nightly
codegen_flags: <defaults>
</compile_context>

<pallas_src>
import functools

import jax
import jax.numpy as jnp
from jax import lax
from jax.experimental import pallas as pl
from jax.experimental.pallas import tpu as pltpu
from jax.experimental.pallas import tpu_sc as plsc

_NW = 32
_C = 128
_BB = 8


def _make_sc_gather(n, d):
  rpw = n // _NW
  assert n % _NW == 0 and rpw % _C == 0
  nch = rpw // _C
  assert nch % 2 == 0
  npairs = nch // 2
  mesh = plsc.VectorSubcoreMesh(core_axis_name="c", subcore_axis_name="s")

  @functools.partial(
      pl.kernel,
      out_type=jax.ShapeDtypeStruct((n, d), jnp.float32),
      mesh=mesh,
      scratch_types=[
          pltpu.VMEM((nch, _C), jnp.int32),
          pltpu.VMEM((2, _C, d), jnp.float32),
          pltpu.SemaphoreType.DMA,
          pltpu.SemaphoreType.DMA,
          pltpu.SemaphoreType.DMA,
          pltpu.SemaphoreType.DMA,
      ],
  )
  def sc_gather(table_hbm, idx_hbm, out_hbm, idx_v, rows_v,
                gsem0, gsem1, wsem0, wsem1):
    wid = lax.axis_index("s") * 2 + lax.axis_index("c")
    base0 = wid * rpw
    gsems = (gsem0, gsem1)
    wsems = (wsem0, wsem1)
    pltpu.sync_copy(idx_hbm.at[wid], idx_v)

    def start_gather(ci, buf):
      pltpu.async_copy(table_hbm.at[idx_v.at[ci]], rows_v.at[buf],
                       gsems[buf])

    def wait_gather(ci, buf):
      pltpu.make_async_copy(table_hbm.at[idx_v.at[ci]], rows_v.at[buf],
                            gsems[buf]).wait()

    def start_wb(ci, buf):
      pltpu.async_copy(rows_v.at[buf],
                       out_hbm.at[pl.ds(base0 + ci * _C, _C)], wsems[buf])

    def wait_wb(ci, buf):
      pltpu.make_async_copy(rows_v.at[buf],
                            out_hbm.at[pl.ds(base0 + ci * _C, _C)],
                            wsems[buf]).wait()

    start_gather(0, 0)

    def pair(g, carry):
      a = 2 * g
      wait_gather(a, 0)

      @pl.when(g >= 1)
      def _():
        wait_wb(a - 1, 1)

      start_gather(a + 1, 1)
      start_wb(a, 0)
      wait_gather(a + 1, 1)
      wait_wb(a, 0)

      @pl.when(a + 2 < nch)
      def _():
        start_gather(a + 2, 0)

      start_wb(a + 1, 1)
      return carry

    lax.fori_loop(0, npairs, pair, 0)
    wait_wb(nch - 1, 1)

  return sc_gather


def _ln_body(nseg, eps, s, d, tok_ref, segi_ref, pos_ref, segtab_ref,
             gam_ref, bet_ref, out_ref):
  tok = tok_ref[...].reshape(_BB, s, d)
  pos = pos_ref[...]
  segi = segi_ref[...][:, :, None]
  st = segtab_ref[...]
  h = tok + pos[None, :, :]
  seg_enc = jnp.broadcast_to(st[0][None, None, :], h.shape)
  for k in range(1, nseg):
    seg_enc = jnp.where(segi == k, st[k][None, None, :], seg_enc)
  h = h + seg_enc
  mean = jnp.mean(h, axis=-1, keepdims=True)
  c = h - mean
  var = jnp.mean(c * c, axis=-1, keepdims=True)
  out_ref[...] = (c * lax.rsqrt(var + eps) * gam_ref[...][None, :, :]
                  + bet_ref[...][None, :, :])


def _make_tc_ln(b, s, d, nseg, eps):
  assert b % _BB == 0
  grid = (b // _BB,)
  return pl.pallas_call(
      functools.partial(_ln_body, nseg, eps, s, d),
      grid=grid,
      in_specs=[
          pl.BlockSpec((_BB * s, d), lambda i: (i, 0)),
          pl.BlockSpec((_BB, s), lambda i: (i, 0)),
          pl.BlockSpec((s, d), lambda i: (0, 0)),
          pl.BlockSpec((nseg, d), lambda i: (0, 0)),
          pl.BlockSpec((1, d), lambda i: (0, 0)),
          pl.BlockSpec((1, d), lambda i: (0, 0)),
      ],
      out_specs=pl.BlockSpec((_BB, s, d), lambda i: (i, 0, 0)),
      out_shape=jax.ShapeDtypeStruct((b, s, d), jnp.float32),
      compiler_params=pltpu.CompilerParams(
          dimension_semantics=("arbitrary",)),
  )


def kernel(x, seg, token_table, pos_table, seg_table, gamma, beta):
  b, s = x.shape
  _, d = token_table.shape
  nseg = seg_table.shape[0]
  n = b * s
  xf = x.reshape(_NW, n // (_NW * _C), _C).astype(jnp.int32)
  gathered = _make_sc_gather(n, d)(token_table.astype(jnp.float32), xf)
  segi = seg.astype(jnp.int32)
  out = _make_tc_ln(b, s, d, nseg, 1e-5)(
      gathered, segi, pos_table.astype(jnp.float32),
      seg_table.astype(jnp.float32), gamma.astype(jnp.float32).reshape(1, d),
      beta.astype(jnp.float32).reshape(1, d))
  return out

# --- scband reference (transcript-rebuilt; emitter-appended) ---
"""Pipeline reference for scband-bertembedding-11931419149141 (READ-ONLY COPY).

The authoritative reference and input builder live on the scoring server;
editing this copy changes nothing except your own understanding.
"""

import jax, jax.numpy as jnp
import numpy as np

B, S, V, D, NSEG = 1024, 200, 100000, 128, 2
EPS = 1e-5


def setup_inputs(seed: int = 0) -> dict:
    key = jax.random.key(seed)
    ks = jax.random.split(key, 7)
    x = jax.random.randint(ks[0], (B, S), 0, V)
    seg = jax.random.randint(ks[1], (B, S), 0, NSEG)
    token_table = jax.random.normal(ks[2], (V, D), dtype=jnp.float32) * 0.02
    pos_table = jax.random.normal(ks[3], (S, D), dtype=jnp.float32) * 0.02
    seg_table = jax.random.normal(ks[4], (NSEG, D), dtype=jnp.float32) * 0.02
    gamma = jnp.ones((D,), dtype=jnp.float32)
    beta = jnp.zeros((D,), dtype=jnp.float32)
    return {
        "x": x,
        "seg": seg,
        "token_table": token_table,
        "pos_table": pos_table,
        "seg_table": seg_table,
        "gamma": gamma,
        "beta": beta,
    }


def reference(x, seg, token_table, pos_table, seg_table, gamma, beta):
    # token embedding lookup (gather)
    token_enc = jnp.take(token_table, x, axis=0)          # [B, S, D]
    # position embedding: arange positions broadcast over batch
    pos = jnp.arange(x.shape[1], dtype=jnp.int32)
    pos_enc = jnp.take(pos_table, pos, axis=0)[None, :, :]  # [1, S, D]
    # segment embedding lookup (gather)
    seg_enc = jnp.take(seg_table, seg, axis=0)            # [B, S, D]
    h = token_enc + pos_enc + seg_enc
    # LayerNorm over last dim (eps matches torch default 1e-5)
    mean = jnp.mean(h, axis=-1, keepdims=True)
    var = jnp.mean((h - mean) ** 2, axis=-1, keepdims=True)
    out = (h - mean) / jnp.sqrt(var + EPS) * gamma + beta
    # dropout is identity in eval mode
    return out

if __name__ == "__main__":
    import jax
    _d = setup_inputs()
    print(jax.jit(kernel)(*tuple(_d.values())))

</pallas_src>

<mosaic_0001>
#map = affine_map<(d0, d1) -> (0, 0)>
#map1 = affine_map<(d0, d1) -> (0, 0, 0)>
module attributes {stable_mosaic.version = 14 : i64} {
  func.func @sc_gather(%arg0: i32, %arg1: i32, %arg2: memref<100000x128xf32, #tpu.memory_space<hbm>>, %arg3: memref<32x50x128xi32, #tpu.memory_space<hbm>>, %arg4: memref<204800x128xf32, #tpu.memory_space<hbm>>, %arg5: memref<50x128xi32, #tpu.memory_space<vmem>>, %arg6: memref<2x128x128xf32, #tpu.memory_space<vmem>>, %arg7: memref<!tpu.dma_semaphore, #tpu.memory_space<semaphore_mem>>, %arg8: memref<!tpu.dma_semaphore, #tpu.memory_space<semaphore_mem>>, %arg9: memref<!tpu.dma_semaphore, #tpu.memory_space<semaphore_mem>>, %arg10: memref<!tpu.dma_semaphore, #tpu.memory_space<semaphore_mem>>) attributes {dimension_semantics = [#tpu.dimension_semantics<core_parallel>, #tpu.dimension_semantics<subcore_parallel>], iteration_bounds = array<i64: 2, 16>, scalar_prefetch = 0 : i64, scratch_operands = 6 : i64, tpu.core_type = #tpu.core_type<sc_vector_subcore>, window_params = [{transform_indices = #map}, {transform_indices = #map1}, {transform_indices = #map}]} {
    %mul3A = arith.constant 2 : i32
    %mul3A_0 = arith.muli %arg1, %mul3A : i32
    %add3A = arith.addi %mul3A_0, %arg0 : i32
    %mul3A_1 = arith.constant 6400 : i32
    %mul3A_2 = arith.muli %add3A, %mul3A_1 : i32
    "tpu.region"() ({
      %run_scoped3A = tpu.sem_alloc : memref<!tpu.dma_semaphore, #tpu.memory_space<semaphore_mem>>
      %dma_start3A_33 = arith.constant 0 : i32
      %dma_start3A_34 = arith.constant 0 : i32
      %dma_start3A_35 = tpu.memref_slice %arg3[%add3A, %dma_start3A_33, %dma_start3A_34] : memref<32x50x128xi32, #tpu.memory_space<hbm>> -> memref<1x50x128xi32, #tpu.memory_space<hbm>>
      %dma_start3A_36 = tpu.memref_squeeze %dma_start3A_35 : memref<1x50x128xi32, #tpu.memory_space<hbm>> -> memref<50x128xi32, #tpu.memory_space<hbm>>
      %dma_start3A_37 = arith.constant 0 : i32
      %dma_start3A_38 = arith.constant 0 : i32
      %dma_start3A_39 = tpu.memref_slice %arg3[%add3A, %dma_start3A_37, %dma_start3A_38] : memref<32x50x128xi32, #tpu.memory_space<hbm>> -> memref<1x50x128xi32, #tpu.memory_space<hbm>>
      %dma_start3A_40 = tpu.memref_squeeze %dma_start3A_39 : memref<1x50x128xi32, #tpu.memory_space<hbm>> -> memref<50x128xi32, #tpu.memory_space<hbm>>
      tpu.enqueue_dma source(%dma_start3A_40 : memref<50x128xi32, #tpu.memory_space<hbm>>) target(%arg5 : memref<50x128xi32, #tpu.memory_space<vmem>>) target_semaphore(%run_scoped3A : memref<!tpu.dma_semaphore, #tpu.memory_space<semaphore_mem>>)
      %dma_wait3A_41 = arith.constant 0 : i32
      %dma_wait3A_42 = arith.constant 0 : i32
      %dma_wait3A_43 = tpu.memref_slice %arg3[%add3A, %dma_wait3A_41, %dma_wait3A_42] : memref<32x50x128xi32, #tpu.memory_space<hbm>> -> memref<1x50x128xi32, #tpu.memory_space<hbm>>
      %dma_wait3A_44 = tpu.memref_squeeze %dma_wait3A_43 : memref<1x50x128xi32, #tpu.memory_space<hbm>> -> memref<50x128xi32, #tpu.memory_space<hbm>>
      %dma_wait3A_45 = arith.constant 0 : i32
      %dma_wait3A_46 = arith.constant 0 : i32
      %dma_wait3A_47 = tpu.memref_slice %arg3[%add3A, %dma_wait3A_45, %dma_wait3A_46] : memref<32x50x128xi32, #tpu.memory_space<hbm>> -> memref<1x50x128xi32, #tpu.memory_space<hbm>>
      %dma_wait3A_48 = tpu.memref_squeeze %dma_wait3A_47 : memref<1x50x128xi32, #tpu.memory_space<hbm>> -> memref<50x128xi32, #tpu.memory_space<hbm>>
      tpu.wait_dma2 semaphore(%run_scoped3A : memref<!tpu.dma_semaphore, #tpu.memory_space<semaphore_mem>>) src(%dma_wait3A_48 : memref<50x128xi32, #tpu.memory_space<hbm>>) dst(%arg5 : memref<50x128xi32, #tpu.memory_space<vmem>>)
      tpu.yield
    }) : () -> ()
    %dma_start3A = arith.constant 0 : i32
    %dma_start3A_3 = arith.constant 0 : i32
    %dma_start3A_4 = arith.constant 0 : i32
    %dma_start3A_5 = arith.constant 0 : i32
    %dma_start3A_6 = tpu.memref_slice %arg6[%dma_start3A_3, %dma_start3A_4, %dma_start3A_5] : memref<2x128x128xf32, #tpu.memory_space<vmem>> -> memref<1x128x128xf32, #tpu.memory_space<vmem>>
    %dma_start3A_7 = tpu.memref_squeeze %dma_start3A_6 : memref<1x128x128xf32, #tpu.memory_space<vmem>> -> memref<128x128xf32, #tpu.memory_space<vmem>>
    %dma_start3A_8 = arith.constant 0 : i32
    %dma_start3A_9 = tpu.memref_slice %arg5[%dma_start3A, %dma_start3A_8] : memref<50x128xi32, #tpu.memory_space<vmem>> -> memref<1x128xi32, #tpu.memory_space<vmem>>
    %dma_start3A_10 = tpu.memref_squeeze %dma_start3A_9 : memref<1x128xi32, #tpu.memory_space<vmem>> -> memref<128xi32, #tpu.memory_space<vmem>>
    %dma_start3A_11 = arith.constant 0 : i32
    %dma_start3A_12 = arith.constant 0 : i32
    %dma_start3A_13 = tpu.memref_slice %arg2[%dma_start3A_11, %dma_start3A_12] : memref<100000x128xf32, #tpu.memory_space<hbm>> -> memref<100000x128xf32, #tpu.memory_space<hbm>>
    tpu.enqueue_indirect_dma source(%dma_start3A_13 : memref<100000x128xf32, #tpu.memory_space<hbm>>) target(%dma_start3A_7 : memref<128x128xf32, #tpu.memory_space<vmem>>) offsets(%dma_start3A_10 : memref<128xi32, #tpu.memory_space<vmem>>) semaphore(%arg7 : memref<!tpu.dma_semaphore, #tpu.memory_space<semaphore_mem>>)
    %scan3A = arith.constant 0 : i32
    %scan3A_14 = arith.constant 0 : i32
    %scan3A_15 = arith.constant 25 : i32
    %scan3A_16 = arith.addi %scan3A_14, %scan3A_15 : i32
    %scan3A_17 = arith.constant 1 : i32
    scf.for %scan3A_33 = %scan3A_14 to %scan3A_16 step %scan3A_17  : i32 {
      %mul3A_34 = arith.constant 2 : i32
      %mul3A_35 = arith.muli %mul3A_34, %scan3A_33 : i32
      %dma_wait3A_36 = arith.constant 0 : i32
      %dma_wait3A_37 = arith.constant 0 : i32
      %dma_wait3A_38 = arith.constant 0 : i32
      %dma_wait3A_39 = tpu.memref_slice %arg6[%dma_wait3A_36, %dma_wait3A_37, %dma_wait3A_38] : memref<2x128x128xf32, #tpu.memory_space<vmem>> -> memref<1x128x128xf32, #tpu.memory_space<vmem>>
      %dma_wait3A_40 = tpu.memref_squeeze %dma_wait3A_39 : memref<1x128x128xf32, #tpu.memory_space<vmem>> -> memref<128x128xf32, #tpu.memory_space<vmem>>
      %dma_wait3A_41 = arith.constant 0 : i32
      %dma_wait3A_42 = tpu.memref_slice %arg5[%mul3A_35, %dma_wait3A_41] : memref<50x128xi32, #tpu.memory_space<vmem>> -> memref<1x128xi32, #tpu.memory_space<vmem>>
      %dma_wait3A_43 = tpu.memref_squeeze %dma_wait3A_42 : memref<1x128xi32, #tpu.memory_space<vmem>> -> memref<128xi32, #tpu.memory_space<vmem>>
      %dma_wait3A_44 = arith.constant 0 : i32
      %dma_wait3A_45 = arith.constant 0 : i32
      %dma_wait3A_46 = tpu.memref_slice %arg2[%dma_wait3A_44, %dma_wait3A_45] : memref<100000x128xf32, #tpu.memory_space<hbm>> -> memref<100000x128xf32, #tpu.memory_space<hbm>>
      tpu.wait_indirect_dma semaphore(%arg7 : memref<!tpu.dma_semaphore, #tpu.memory_space<semaphore_mem>>) src(%dma_wait3A_46 : memref<100000x128xf32, #tpu.memory_space<hbm>>) dst(%dma_wait3A_40 : memref<128x128xf32, #tpu.memory_space<vmem>>)
      %ge3A = arith.constant 1 : i32
      %ge3A_47 = arith.cmpi sge, %scan3A_33, %ge3A : i32
      %convert_element_type3A = arith.extui %ge3A_47 : i1 to i32
      %cond3A = arith.constant 0 : i32
      %cond3A_48 = arith.cmpi ne, %convert_element_type3A, %cond3A : i32
      scf.if %cond3A_48 {
        %sub3A = arith.constant 1 : i32
        %sub3A_131 = arith.subi %mul3A_35, %sub3A : i32
        %mul3A_132 = arith.constant 128 : i32
        %mul3A_133 = arith.muli %sub3A_131, %mul3A_132 : i32
        %add3A_134 = arith.addi %mul3A_2, %mul3A_133 : i32
        %dma_wait3A_135 = arith.constant 1 : i32
        %dma_wait3A_136 = arith.constant 0 : i32
        %dma_wait3A_137 = arith.constant 0 : i32
        %dma_wait3A_138 = tpu.memref_slice %arg6[%dma_wait3A_135, %dma_wait3A_136, %dma_wait3A_137] : memref<2x128x128xf32, #tpu.memory_space<vmem>> -> memref<1x128x128xf32, #tpu.memory_space<vmem>>
        %dma_wait3A_139 = tpu.memref_squeeze %dma_wait3A_138 : memref<1x128x128xf32, #tpu.memory_space<vmem>> -> memref<128x128xf32, #tpu.memory_space<vmem>>
        %dma_wait3A_140 = arith.constant 0 : i32
        %dma_wait3A_141 = tpu.memref_slice %arg4[%add3A_134, %dma_wait3A_140] : memref<204800x128xf32, #tpu.memory_space<hbm>> -> memref<128x128xf32, #tpu.memory_space<hbm>>
        %dma_wait3A_142 = arith.constant 0 : i32
        %dma_wait3A_143 = tpu.memref_slice %arg4[%add3A_134, %dma_wait3A_142] : memref<204800x128xf32, #tpu.memory_space<hbm>> -> memref<128x128xf32, #tpu.memory_space<hbm>>
        %dma_wait3A_144 = arith.constant 0 : i32
        %dma_wait3A_145 = arith.constant 0 : i32
        %dma_wait3A_146 = tpu.memref_slice %arg6[%dma_wait3A_135, %dma_wait3A_144, %dma_wait3A_145] : memref<2x128x128xf32, #tpu.memory_space<vmem>> -> memref<1x128x128xf32, #tpu.memory_space<vmem>>
        %dma_wait3A_147 = tpu.memref_squeeze %dma_wait3A_146 : memref<1x128x128xf32, #tpu.memory_space<vmem>> -> memref<128x128xf32, #tpu.memory_space<vmem>>
        tpu.wait_dma2 semaphore(%arg10 : memref<!tpu.dma_semaphore, #tpu.memory_space<semaphore_mem>>) src(%dma_wait3A_147 : memref<128x128xf32, #tpu.memory_space<vmem>>) dst(%dma_wait3A_143 : memref<128x128xf32, #tpu.memory_space<hbm>>)
      } else {
      }
      %add3A_49 = arith.constant 1 : i32
      %add3A_50 = arith.addi %mul3A_35, %add3A_49 : i32
      %dma_start3A_51 = arith.constant 1 : i32
      %dma_start3A_52 = arith.constant 0 : i32
      %dma_start3A_53 = arith.constant 0 : i32
      %dma_start3A_54 = tpu.memref_slice %arg6[%dma_start3A_51, %dma_start3A_52, %dma_start3A_53] : memref<2x128x128xf32, #tpu.memory_space<vmem>> -> memref<1x128x128xf32, #tpu.memory_space<vmem>>
      %dma_start3A_55 = tpu.memref_squeeze %dma_start3A_54 : memref<1x128x128xf32, #tpu.memory_space<vmem>> -> memref<128x128xf32, #tpu.memory_space<vmem>>
      %dma_start3A_56 = arith.constant 0 : i32
      %dma_start3A_57 = tpu.memref_slice %arg5[%add3A_50, %dma_start3A_56] : memref<50x128xi32, #tpu.memory_space<vmem>> -> memref<1x128xi32, #tpu.memory_space<vmem>>
      %dma_start3A_58 = tpu.memref_squeeze %dma_start3A_57 : memref<1x128xi32, #tpu.memory_space<vmem>> -> memref<128xi32, #tpu.memory_space<vmem>>
      %dma_start3A_59 = arith.constant 0 : i32
      %dma_start3A_60 = arith.constant 0 : i32
      %dma_start3A_61 = tpu.memref_slice %arg2[%dma_start3A_59, %dma_start3A_60] : memref<100000x128xf32, #tpu.memory_space<hbm>> -> memref<100000x128xf32, #tpu.memory_space<hbm>>
      tpu.enqueue_indirect_dma source(%dma_start3A_61 : memref<100000x128xf32, #tpu.memory_space<hbm>>) target(%dma_start3A_55 : memref<128x128xf32, #tpu.memory_space<vmem>>) offsets(%dma_start3A_58 : memref<128xi32, #tpu.memory_space<vmem>>) semaphore(%arg8 : memref<!tpu.dma_semaphore, #tpu.memory_space<semaphore_mem>>)
      %mul3A_62 = arith.constant 128 : i32
      %mul3A_63 = arith.muli %mul3A_35, %mul3A_62 : i32
      %add3A_64 = arith.addi %mul3A_2, %mul3A_63 : i32
      %dma_start3A_65 = arith.constant 0 : i32
      %dma_start3A_66 = arith.constant 0 : i32
      %dma_start3A_67 = arith.constant 0 : i32
      %dma_start3A_68 = tpu.memref_slice %arg6[%dma_start3A_65, %dma_start3A_66, %dma_start3A_67] : memref<2x128x128xf32, #tpu.memory_space<vmem>> -> memref<1x128x128xf32, #tpu.memory_space<vmem>>
      %dma_start3A_69 = tpu.memref_squeeze %dma_start3A_68 : memref<1x128x128xf32, #tpu.memory_space<vmem>> -> memref<128x128xf32, #tpu.memory_space<vmem>>
      %dma_start3A_70 = arith.constant 0 : i32
      %dma_start3A_71 = tpu.memref_slice %arg4[%add3A_64, %dma_start3A_70] : memref<204800x128xf32, #tpu.memory_space<hbm>> -> memref<128x128xf32, #tpu.memory_space<hbm>>
      %dma_start3A_72 = arith.constant 0 : i32
      %dma_start3A_73 = tpu.memref_slice %arg4[%add3A_64, %dma_start3A_72] : memref<204800x128xf32, #tpu.memory_space<hbm>> -> memref<128x128xf32, #tpu.memory_space<hbm>>
      %dma_start3A_74 = arith.constant 0 : i32
      %dma_start3A_75 = arith.constant 0 : i32
      %dma_start3A_76 = tpu.memref_slice %arg6[%dma_start3A_65, %dma_start3A_74, %dma_start3A_75] : memref<2x128x128xf32, #tpu.memory_space<vmem>> -> memref<1x128x128xf32, #tpu.memory_space<vmem>>
      %dma_start3A_77 = tpu.memref_squeeze %dma_start3A_76 : memref<1x128x128xf32, #tpu.memory_space<vmem>> -> memref<128x128xf32, #tpu.memory_space<vmem>>
      tpu.enqueue_dma source(%dma_start3A_77 : memref<128x128xf32, #tpu.memory_space<vmem>>) target(%dma_start3A_73 : memref<128x128xf32, #tpu.memory_space<hbm>>) target_semaphore(%arg9 : memref<!tpu.dma_semaphore, #tpu.memory_space<semaphore_mem>>)
      %add3A_78 = arith.constant 1 : i32
      %add3A_79 = arith.addi %mul3A_35, %add3A_78 : i32
      %dma_wait3A_80 = arith.constant 1 : i32
      %dma_wait3A_81 = arith.constant 0 : i32
      %dma_wait3A_82 = arith.constant 0 : i32
      %dma_wait3A_83 = tpu.memref_slice %arg6[%dma_wait3A_80, %dma_wait3A_81, %dma_wait3A_82] : memref<2x128x128xf32, #tpu.memory_space<vmem>> -> memref<1x128x128xf32, #tpu.memory_space<vmem>>
      %dma_wait3A_84 = tpu.memref_squeeze %dma_wait3A_83 : memref<1x128x128xf32, #tpu.memory_space<vmem>> -> memref<128x128xf32, #tpu.memory_space<vmem>>
      %dma_wait3A_85 = arith.constant 0 : i32
      %dma_wait3A_86 = tpu.memref_slice %arg5[%add3A_79, %dma_wait3A_85] : memref<50x128xi32, #tpu.memory_space<vmem>> -> memref<1x128xi32, #tpu.memory_space<vmem>>
      %dma_wait3A_87 = tpu.memref_squeeze %dma_wait3A_86 : memref<1x128xi32, #tpu.memory_space<vmem>> -> memref<128xi32, #tpu.memory_space<vmem>>
      %dma_wait3A_88 = arith.constant 0 : i32
      %dma_wait3A_89 = arith.constant 0 : i32
      %dma_wait3A_90 = tpu.memref_slice %arg2[%dma_wait3A_88, %dma_wait3A_89] : memref<100000x128xf32, #tpu.memory_space<hbm>> -> memref<100000x128xf32, #tpu.memory_space<hbm>>
      tpu.wait_indirect_dma semaphore(%arg8 : memref<!tpu.dma_semaphore, #tpu.memory_space<semaphore_mem>>) src(%dma_wait3A_90 : memref<100000x128xf32, #tpu.memory_space<hbm>>) dst(%dma_wait3A_84 : memref<128x128xf32, #tpu.memory_space<vmem>>)
      %mul3A_91 = arith.constant 128 : i32
      %mul3A_92 = arith.muli %mul3A_35, %mul3A_91 : i32
      %add3A_93 = arith.addi %mul3A_2, %mul3A_92 : i32
      %dma_wait3A_94 = arith.constant 0 : i32
      %dma_wait3A_95 = arith.constant 0 : i32
      %dma_wait3A_96 = arith.constant 0 : i32
      %dma_wait3A_97 = tpu.memref_slice %arg6[%dma_wait3A_94, %dma_wait3A_95, %dma_wait3A_96] : memref<2x128x128xf32, #tpu.memory_space<vmem>> -> memref<1x128x128xf32, #tpu.memory_space<vmem>>
      %dma_wait3A_98 = tpu.memref_squeeze %dma_wait3A_97 : memref<1x128x128xf32, #tpu.memory_space<vmem>> -> memref<128x128xf32, #tpu.memory_space<vmem>>
      %dma_wait3A_99 = arith.constant 0 : i32
      %dma_wait3A_100 = tpu.memref_slice %arg4[%add3A_93, %dma_wait3A_99] : memref<204800x128xf32, #tpu.memory_space<hbm>> -> memref<128x128xf32, #tpu.memory_space<hbm>>
      %dma_wait3A_101 = arith.constant 0 : i32
      %dma_wait3A_102 = tpu.memref_slice %arg4[%add3A_93, %dma_wait3A_101] : memref<204800x128xf32, #tpu.memory_space<hbm>> -> memref<128x128xf32, #tpu.memory_space<hbm>>
      %dma_wait3A_103 = arith.constant 0 : i32
      %dma_wait3A_104 = arith.constant 0 : i32
      %dma_wait3A_105 = tpu.memref_slice %arg6[%dma_wait3A_94, %dma_wait3A_103, %dma_wait3A_104] : memref<2x128x128xf32, #tpu.memory_space<vmem>> -> memref<1x128x128xf32, #tpu.memory_space<vmem>>
      %dma_wait3A_106 = tpu.memref_squeeze %dma_wait3A_105 : memref<1x128x128xf32, #tpu.memory_space<vmem>> -> memref<128x128xf32, #tpu.memory_space<vmem>>
      tpu.wait_dma2 semaphore(%arg9 : memref<!tpu.dma_semaphore, #tpu.memory_space<semaphore_mem>>) src(%dma_wait3A_106 : memref<128x128xf32, #tpu.memory_space<vmem>>) dst(%dma_wait3A_102 : memref<128x128xf32, #tpu.memory_space<hbm>>)
      %add3A_107 = arith.constant 2 : i32
      %add3A_108 = arith.addi %mul3A_35, %add3A_107 : i32
      %lt3A = arith.constant 50 : i32
      %lt3A_109 = arith.cmpi slt, %add3A_108, %lt3A : i32
      %convert_element_type3A_110 = arith.extui %lt3A_109 : i1 to i32
      %cond3A_111 = arith.constant 0 : i32
      %cond3A_112 = arith.cmpi ne, %convert_element_type3A_110, %cond3A_111 : i32
      scf.if %cond3A_112 {
        %add3A_131 = arith.constant 2 : i32
        %add3A_132 = arith.addi %mul3A_35, %add3A_131 : i32
        %dma_start3A_133 = arith.constant 0 : i32
        %dma_start3A_134 = arith.constant 0 : i32
        %dma_start3A_135 = arith.constant 0 : i32
        %dma_start3A_136 = tpu.memref_slice %arg6[%dma_start3A_133, %dma_start3A_134, %dma_start3A_135] : memref<2x128x128xf32, #tpu.memory_space<vmem>> -> memref<1x128x128xf32, #tpu.memory_space<vmem>>
        %dma_start3A_137 = tpu.memref_squeeze %dma_start3A_136 : memref<1x128x128xf32, #tpu.memory_space<vmem>> -> memref<128x128xf32, #tpu.memory_space<vmem>>
        %dma_start3A_138 = arith.constant 0 : i32
        %dma_start3A_139 = tpu.memref_slice %arg5[%add3A_132, %dma_start3A_138] : memref<50x128xi32, #tpu.memory_space<vmem>> -> memref<1x128xi32, #tpu.memory_space<vmem>>
        %dma_start3A_140 = tpu.memref_squeeze %dma_start3A_139 : memref<1x128xi32, #tpu.memory_space<vmem>> -> memref<128xi32, #tpu.memory_space<vmem>>
        %dma_start3A_141 = arith.constant 0 : i32
        %dma_start3A_142 = arith.constant 0 : i32
        %dma_start3A_143 = tpu.memref_slice %arg2[%dma_start3A_141, %dma_start3A_142] : memref<100000x128xf32, #tpu.memory_space<hbm>> -> memref<100000x128xf32, #tpu.memory_space<hbm>>
        tpu.enqueue_indirect_dma source(%dma_start3A_143 : memref<100000x128xf32, #tpu.memory_space<hbm>>) target(%dma_start3A_137 : memref<128x128xf32, #tpu.memory_space<vmem>>) offsets(%dma_start3A_140 : memref<128xi32, #tpu.memory_space<vmem>>) semaphore(%arg7 : memref<!tpu.dma_semaphore, #tpu.memory_space<semaphore_mem>>)
      } else {
      }
      %add3A_113 = arith.constant 1 : i32
      %add3A_114 = arith.addi %mul3A_35, %add3A_113 : i32
      %mul3A_115 = arith.constant 128 : i32
      %mul3A_116 = arith.muli %add3A_114, %mul3A_115 : i32
      %add3A_117 = arith.addi %mul3A_2, %mul3A_116 : i32
      %dma_start3A_118 = arith.constant 1 : i32
      %dma_start3A_119 = arith.constant 0 : i32
      %dma_start3A_120 = arith.constant 0 : i32
      %dma_start3A_121 = tpu.memref_slice %arg6[%dma_start3A_118, %dma_start3A_119, %dma_start3A_120] : memref<2x128x128xf32, #tpu.memory_space<vmem>> -> memref<1x128x128xf32, #tpu.memory_space<vmem>>
      %dma_start3A_122 = tpu.memref_squeeze %dma_start3A_121 : memref<1x128x128xf32, #tpu.memory_space<vmem>> -> memref<128x128xf32, #tpu.memory_space<vmem>>
      %dma_start3A_123 = arith.constant 0 : i32
      %dma_start3A_124 = tpu.memref_slice %arg4[%add3A_117, %dma_start3A_123] : memref<204800x128xf32, #tpu.memory_space<hbm>> -> memref<128x128xf32, #tpu.memory_space<hbm>>
      %dma_start3A_125 = arith.constant 0 : i32
      %dma_start3A_126 = tpu.memref_slice %arg4[%add3A_117, %dma_start3A_125] : memref<204800x128xf32, #tpu.memory_space<hbm>> -> memref<128x128xf32, #tpu.memory_space<hbm>>
      %dma_start3A_127 = arith.constant 0 : i32
      %dma_start3A_128 = arith.constant 0 : i32
      %dma_start3A_129 = tpu.memref_slice %arg6[%dma_start3A_118, %dma_start3A_127, %dma_start3A_128] : memref<2x128x128xf32, #tpu.memory_space<vmem>> -> memref<1x128x128xf32, #tpu.memory_space<vmem>>
      %dma_start3A_130 = tpu.memref_squeeze %dma_start3A_129 : memref<1x128x128xf32, #tpu.memory_space<vmem>> -> memref<128x128xf32, #tpu.memory_space<vmem>>
      tpu.enqueue_dma source(%dma_start3A_130 : memref<128x128xf32, #tpu.memory_space<vmem>>) target(%dma_start3A_126 : memref<128x128xf32, #tpu.memory_space<hbm>>) target_semaphore(%arg10 : memref<!tpu.dma_semaphore, #tpu.memory_space<semaphore_mem>>)
    }
    %scan3A_18 = arith.constant 25 : i32
    %add3A_19 = arith.constant 6272 : i32
    %add3A_20 = arith.addi %mul3A_2, %add3A_19 : i32
    %dma_wait3A = arith.constant 1 : i32
    %dma_wait3A_21 = arith.constant 0 : i32
    %dma_wait3A_22 = arith.constant 0 : i32
    %dma_wait3A_23 = tpu.memref_slice %arg6[%dma_wait3A, %dma_wait3A_21, %dma_wait3A_22] : memref<2x128x128xf32, #tpu.memory_space<vmem>> -> memref<1x128x128xf32, #tpu.memory_space<vmem>>
    %dma_wait3A_24 = tpu.memref_squeeze %dma_wait3A_23 : memref<1x128x128xf32, #tpu.memory_space<vmem>> -> memref<128x128xf32, #tpu.memory_space<vmem>>
    %dma_wait3A_25 = arith.constant 0 : i32
    %dma_wait3A_26 = tpu.memref_slice %arg4[%add3A_20, %dma_wait3A_25] : memref<204800x128xf32, #tpu.memory_space<hbm>> -> memref<128x128xf32, #tpu.memory_space<hbm>>
    %dma_wait3A_27 = arith.constant 0 : i32
    %dma_wait3A_28 = tpu.memref_slice %arg4[%add3A_20, %dma_wait3A_27] : memref<204800x128xf32, #tpu.memory_space<hbm>> -> memref<128x128xf32, #tpu.memory_space<hbm>>
    %dma_wait3A_29 = arith.constant 0 : i32
    %dma_wait3A_30 = arith.constant 0 : i32
    %dma_wait3A_31 = tpu.memref_slice %arg6[%dma_wait3A, %dma_wait3A_29, %dma_wait3A_30] : memref<2x128x128xf32, #tpu.memory_space<vmem>> -> memref<1x128x128xf32, #tpu.memory_space<vmem>>
    %dma_wait3A_32 = tpu.memref_squeeze %dma_wait3A_31 : memref<1x128x128xf32, #tpu.memory_space<vmem>> -> memref<128x128xf32, #tpu.memory_space<vmem>>
    tpu.wait_dma2 semaphore(%arg10 : memref<!tpu.dma_semaphore, #tpu.memory_space<semaphore_mem>>) src(%dma_wait3A_32 : memref<128x128xf32, #tpu.memory_space<vmem>>) dst(%dma_wait3A_28 : memref<128x128xf32, #tpu.memory_space<hbm>>)
    return
  }
}

module attributes {stable_mosaic.version = 14 : i64} {
  func.func @_ln_body(%arg0: i32, %arg1: memref<1600x128xf32, #tpu.memory_space<vmem>>, %arg2: memref<8x200xi32, #tpu.memory_space<vmem>>, %arg3: memref<200x128xf32, #tpu.memory_space<vmem>>, %arg4: memref<2x128xf32, #tpu.memory_space<vmem>>, %arg5: memref<1x128xf32, #tpu.memory_space<vmem>>, %arg6: memref<1x128xf32, #tpu.memory_space<vmem>>, %arg7: memref<8x200x128xf32, #tpu.memory_space<vmem>>) attributes {dimension_semantics = [#tpu.dimension_semantics<arbitrary>], iteration_bounds = array<i64: 128>, scalar_prefetch = 0 : i64, scratch_operands = 0 : i64, tpu.core_type = #tpu.core_type<tc>, window_params = [{transform_indices = @transform_0, window_bounds = array<i64: 1600, 128>}, {transform_indices = @transform_1, window_bounds = array<i64: 8, 200>}, {pipeline_mode = #tpu.pipeline_mode<synchronous>, transform_indices = @transform_2, window_bounds = array<i64: 200, 128>}, {pipeline_mode = #tpu.pipeline_mode<synchronous>, transform_indices = @transform_3, window_bounds = array<i64: 2, 128>}, {pipeline_mode = #tpu.pipeline_mode<synchronous>, transform_indices = @transform_4, window_bounds = array<i64: 1, 128>}, {pipeline_mode = #tpu.pipeline_mode<synchronous>, transform_indices = @transform_5, window_bounds = array<i64: 1, 128>}, {transform_indices = @transform_6, window_bounds = array<i64: 8, 200, 128>}]} {
    %get3A = arith.constant 0 : index
    %get3A_0 = arith.constant 0 : index
    %get3A_1 = vector.load %arg1[%get3A, %get3A_0] : memref<1600x128xf32, #tpu.memory_space<vmem>>, vector<1600x128xf32>
    %reshape3A = vector.shape_cast %get3A_1 : vector<1600x128xf32> to vector<8x200x128xf32>
    %get3A_2 = arith.constant 0 : index
    %get3A_3 = arith.constant 0 : index
    %get3A_4 = vector.load %arg3[%get3A_2, %get3A_3] : memref<200x128xf32, #tpu.memory_space<vmem>>, vector<200x128xf32>
    %get3A_5 = arith.constant 0 : index
    %get3A_6 = arith.constant 0 : index
    %get3A_7 = vector.load %arg2[%get3A_5, %get3A_6] : memref<8x200xi32, #tpu.memory_space<vmem>>, vector<8x200xi32>
    %broadcast_in_dim3A = vector.shape_cast %get3A_7 : vector<8x200xi32> to vector<8x200x1xi32>
    %get3A_8 = arith.constant 0 : index
    %get3A_9 = arith.constant 0 : index
    %get3A_10 = vector.load %arg4[%get3A_8, %get3A_9] : memref<2x128xf32, #tpu.memory_space<vmem>>, vector<2x128xf32>
    %broadcast_in_dim3A_11 = vector.shape_cast %get3A_4 : vector<200x128xf32> to vector<1x200x128xf32>
    %add3A = vector.broadcast %broadcast_in_dim3A_11 : vector<1x200x128xf32> to vector<8x200x128xf32>
    %add3A_12 = arith.addf %reshape3A, %add3A : vector<8x200x128xf32>
    %slice3A = vector.extract_strided_slice %get3A_10 {offsets = [0, 0], sizes = [1, 128], strides = [1, 1]} : vector<2x128xf32> to vector<1x128xf32>
    %squeeze3A = vector.shape_cast %slice3A : vector<1x128xf32> to vector<128xf32>
    %broadcast_in_dim3A_13 = vector.shape_cast %squeeze3A : vector<128xf32> to vector<1x1x128xf32>
    %broadcast_in_dim3A_14 = vector.shape_cast %broadcast_in_dim3A_13 : vector<1x1x128xf32> to vector<1x1x128xf32>
    %broadcast_in_dim3A_15 = vector.broadcast %broadcast_in_dim3A_14 : vector<1x1x128xf32> to vector<8x200x128xf32>
    %eq3A = arith.constant 1 : i32
    %eq3A_16 = vector.broadcast %eq3A : i32 to vector<8x200x1xi32>
    %eq3A_17 = arith.cmpi eq, %broadcast_in_dim3A, %eq3A_16 : vector<8x200x1xi32>
    %slice3A_18 = vector.extract_strided_slice %get3A_10 {offsets = [1, 0], sizes = [1, 128], strides = [1, 1]} : vector<2x128xf32> to vector<1x128xf32>
    %squeeze3A_19 = vector.shape_cast %slice3A_18 : vector<1x128xf32> to vector<128xf32>
    %broadcast_in_dim3A_20 = vector.shape_cast %squeeze3A_19 : vector<128xf32> to vector<1x1x128xf32>
    %broadcast_in_dim3A_21 = vector.shape_cast %eq3A_17 : vector<8x200x1xi1> to vector<8x200x1xi1>
    %broadcast_in_dim3A_22 = vector.broadcast %broadcast_in_dim3A_21 : vector<8x200x1xi1> to vector<8x200x128xi1>
    %broadcast_in_dim3A_23 = vector.shape_cast %broadcast_in_dim3A_20 : vector<1x1x128xf32> to vector<1x1x128xf32>
    %broadcast_in_dim3A_24 = vector.broadcast %broadcast_in_dim3A_23 : vector<1x1x128xf32> to vector<8x200x128xf32>
    %select_n3A = arith.select %broadcast_in_dim3A_22, %broadcast_in_dim3A_24, %broadcast_in_dim3A_15 : vector<8x200x128xi1>, vector<8x200x128xf32>
    %add3A_25 = arith.addf %add3A_12, %select_n3A : vector<8x200x128xf32>
    %reduce_sum3A = arith.constant dense<0.000000e+00> : vector<8x200xf32>
    %reduce_sum3A_26 = vector.multi_reduction <add>, %add3A_25, %reduce_sum3A [2] : vector<8x200x128xf32> to vector<8x200xf32>
    %broadcast_in_dim3A_27 = vector.shape_cast %reduce_sum3A_26 : vector<8x200xf32> to vector<8x200x1xf32>
    %div3A = arith.constant 1.280000e+02 : f32
    %div3A_28 = vector.broadcast %div3A : f32 to vector<8x200x1xf32>
    %div3A_29 = arith.divf %broadcast_in_dim3A_27, %div3A_28 : vector<8x200x1xf32>
    %sub3A = vector.broadcast %div3A_29 : vector<8x200x1xf32> to vector<8x200x128xf32>
    %sub3A_30 = arith.subf %add3A_25, %sub3A : vector<8x200x128xf32>
    %mul3A = arith.mulf %sub3A_30, %sub3A_30 : vector<8x200x128xf32>
    %reduce_sum3A_31 = arith.constant dense<0.000000e+00> : vector<8x200xf32>
    %reduce_sum3A_32 = vector.multi_reduction <add>, %mul3A, %reduce_sum3A_31 [2] : vector<8x200x128xf32> to vector<8x200xf32>
    %broadcast_in_dim3A_33 = vector.shape_cast %reduce_sum3A_32 : vector<8x200xf32> to vector<8x200x1xf32>
    %div3A_34 = arith.constant 1.280000e+02 : f32
    %div3A_35 = vector.broadcast %div3A_34 : f32 to vector<8x200x1xf32>
    %div3A_36 = arith.divf %broadcast_in_dim3A_33, %div3A_35 : vector<8x200x1xf32>
    %add3A_37 = arith.constant 9.99999974E-6 : f32
    %add3A_38 = vector.broadcast %add3A_37 : f32 to vector<8x200x1xf32>
    %add3A_39 = arith.addf %div3A_36, %add3A_38 : vector<8x200x1xf32>
    %rsqrt3A = math.rsqrt %add3A_39 : vector<8x200x1xf32>
    %mul3A_40 = vector.broadcast %rsqrt3A : vector<8x200x1xf32> to vector<8x200x128xf32>
    %mul3A_41 = arith.mulf %sub3A_30, %mul3A_40 : vector<8x200x128xf32>
    %get3A_42 = arith.constant 0 : index
    %get3A_43 = arith.constant 0 : index
    %get3A_44 = vector.load %arg5[%get3A_42, %get3A_43] : memref<1x128xf32, #tpu.memory_space<vmem>>, vector<1x128xf32>
    %broadcast_in_dim3A_45 = vector.shape_cast %get3A_44 : vector<1x128xf32> to vector<1x1x128xf32>
    %mul3A_46 = vector.broadcast %broadcast_in_dim3A_45 : vector<1x1x128xf32> to vector<8x200x128xf32>
    %mul3A_47 = arith.mulf %mul3A_41, %mul3A_46 : vector<8x200x128xf32>
    %get3A_48 = arith.constant 0 : index
    %get3A_49 = arith.constant 0 : index
    %get3A_50 = vector.load %arg6[%get3A_48, %get3A_49] : memref<1x128xf32, #tpu.memory_space<vmem>>, vector<1x128xf32>
    %broadcast_in_dim3A_51 = vector.shape_cast %get3A_50 : vector<1x128xf32> to vector<1x1x128xf32>
    %add3A_52 = vector.broadcast %broadcast_in_dim3A_51 : vector<1x1x128xf32> to vector<8x200x128xf32>
    %add3A_53 = arith.addf %mul3A_47, %add3A_52 : vector<8x200x128xf32>
    %swap3A = arith.constant 0 : index
    %swap3A_54 = arith.constant 0 : index
    %swap3A_55 = arith.constant 0 : index
    %swap3A_56 = vector.load %arg7[%swap3A, %swap3A_54, %swap3A_55] : memref<8x200x128xf32, #tpu.memory_space<vmem>>, vector<8x200x128xf32>
    tpu.vector_store %arg7[%swap3A, %swap3A_54, %swap3A_55], %add3A_53 {strides = array<i32>} : memref<8x200x128xf32, #tpu.memory_space<vmem>>, vector<8x200x128xf32>,
    return
  }
  func.func @transform_0(%arg0: i32) -> (i32, i32) {
    %c0_i32 = arith.constant 0 : i32
    %c0_i32_0 = arith.constant 0 : i32
    return %arg0, %c0_i32 : i32, i32
  }
  func.func @transform_1(%arg0: i32) -> (i32, i32) {
    %c0_i32 = arith.constant 0 : i32
    %c0_i32_0 = arith.constant 0 : i32
    return %arg0, %c0_i32 : i32, i32
  }
  func.func @transform_2(%arg0: i32) -> (i32, i32) {
    %c0_i32 = arith.constant 0 : i32
    %c0_i32_0 = arith.constant 0 : i32
    %c0_i32_1 = arith.constant 0 : i32
    return %c0_i32, %c0_i32_0 : i32, i32
  }
  func.func @transform_3(%arg0: i32) -> (i32, i32) {
    %c0_i32 = arith.constant 0 : i32
    %c0_i32_0 = arith.constant 0 : i32
    %c0_i32_1 = arith.constant 0 : i32
    return %c0_i32, %c0_i32_0 : i32, i32
  }
  func.func @transform_4(%arg0: i32) -> (i32, i32) {
    %c0_i32 = arith.constant 0 : i32
    %c0_i32_0 = arith.constant 0 : i32
    %c0_i32_1 = arith.constant 0 : i32
    return %c0_i32, %c0_i32_0 : i32, i32
  }
  func.func @transform_5(%arg0: i32) -> (i32, i32) {
    %c0_i32 = arith.constant 0 : i32
    %c0_i32_0 = arith.constant 0 : i32
    %c0_i32_1 = arith.constant 0 : i32
    return %c0_i32, %c0_i32_0 : i32, i32
  }
  func.func @transform_6(%arg0: i32) -> (i32, i32, i32) {
    %c0_i32 = arith.constant 0 : i32
    %c0_i32_0 = arith.constant 0 : i32
    %c0_i32_1 = arith.constant 0 : i32
    return %arg0, %c0_i32, %c0_i32_0 : i32, i32, i32
  }
}

</mosaic_0001>

<sc_bundles>
// kernel: kernel.4.cloned.1.call-start
scs
__scs_entry_jumppad:
0x0: {  	(pc) =	sbr.rel $0x88, $3  }
0x1: {  	(tag) =	ssettag $0x0;
	lr =	simm.s32 $0x1  }
0x2: {  	[smem:$0x3F9A] =	sst lr;
	_ =	strace $0xD0000000  }
0x3: {  	_ = 	snop  }
0x4: {  	_ = 	snop  }
0x5: {  	_ = 	snop  }
0x6: {  	_ = 	snop  }
0x7: {  	_ = 	snop  }
__scs_overlays_trampoline_lowered:
0x8: {  	[smem:$0x3FA9] =	sst s0  }
0x9: {  	[smem:$0x3FAA] =	sst s1  }
0xa: {  	[smem:$0x3FAB] =	sst s2  }
0xb: {  	[smem:$0x3FAC] =	sst s3  }
0xc: {  	[smem:$0x3FAD] =	sst s4  }
0xd: {  	[smem:$0x3FAE] =	sst s5  }
0xe: {  	[smem:$0x3FAF] =	sst s6  }
0xf: {  	[smem:$0x3FB0] =	sst s7  }
0x10: {  	[smem:$0x3FB1] =	sst s8  }
0x11: {  	[smem:$0x3FB2] =	sst s9;
	s0 =	simm.s32 @!p0 $0x0  }
0x12: {  	s1 =	sld [smem:$0x3F98];
	s0 =	simm.s32 @p0 $0x1  }
0x13: {  	[smem:$0x3FB3] =	sst s0;
	s0 =	simm.s32 @!p1 $0x0  }
0x14: {  	s2 =	sld [smem:$0x3F97];
	s0 =	simm.s32 @p1 $0x1  }
0x15: {  	[smem:$0x3FB4] =	sst s0;
	s0 =	simm.s32 @!p2 $0x0  }
0x16: {  	s3 =	sld [smem:$0x3FDB];
	s0 =	simm.s32 @p2 $0x1  }
0x17: {  	s4 =	simm.s32 $0x1BF5;
	[smem:$0x3FB6] =	sst s0  }
0x18: {  	s0 =	sld [smem:$0x3F99];
	_ =	swait.ge [sflag:s4], $0x0  }
0x19: {  	s7 =	sld [smem:$0x3F9A]  }
0x1a: {  	s8 =	sadd.s32 $0xFFFFE003, lr  }
0x1b: {  	s9 =	sadd.s32 $0xFFFFFEF7, lr;
	s5 =	simm.s32 $0xFFFFFFFF;
	p2 =	slt.u32 s8, $0xFFFFF086  }
0x1c: {  	p1 =	slt.u32 s9, $0xF7A;
	s5 =	simm.s32 @!p2 $0x0  }
0x1d: {  	s5 =	simm.s32 @p1 $0x1;
	p0 =	seq.s32 s7, s2  }
0x1e: {  	s7 =	smul.u32 @!p0 $0xF7A, s2;
	p2 =	seq.s32 @!p0 s5, $0x0  }
0x1f: {  	s9 =	smul.u32 $0xF7A, s1;
	s8 =	simm.s32 @!p0 $0x1BF5;
	p2 =	por !p2, p0  }
0x20: {  	[sflag:s8] =	ssyncset.s32 @!p0 $0xFFFFF086;
	s6 =	sadd.s32 @!p0 s3, s7;
	s7 =	simm.s32 @!p0 $0x108  }
0x21: {  	s3 =	sadd.s32 s3, s9;
	s6 =	sadd.s32 @!p0 $0x88, s6;
	s7 =	simm.s32 @p2 $0x1082  }
0x22: {  	[simem:s7], [sflag:s8] =	dma.local @!p0 [hbm:s6], $0xF7A  }
0x23: {  	s9 =	sor.u32 $0xD0000000, s2;
	s6 =	simm.s32 $0x108;
	_ =	swait.ge @!p0 [sflag:s8], $0x0  }
0x24: {  	s3 =	sadd.s32 $0x88, s3;
	s6 =	simm.s32 @!p1 $0x1082;
	[sflag:s4] =	ssyncset.s32 $0xFFFFF086  }
0x25: {  	[simem:s6], [sflag:s4] =	dma.local [hbm:s3], $0xF7A  }
0x26: {  	[smem:$0x3F9A] =	sst s1;
	(tag) =	ssettag s2;
	_ =	strace s9  }
0x27: {  	s1 =	sld [smem:$0x3FAA]  }
0x28: {  	s2 =	sld [smem:$0x3FAB]  }
0x29: {  	s4 =	sld [smem:$0x3FAD]  }
0x2a: {  	p0 =	seq.s32 s5, $0x0;
	s5 =	sld [smem:$0x3FAE]  }
0x2b: {  	s6 =	sld [smem:$0x3FAF]  }
0x2c: {  	s7 =	sld [smem:$0x3FB0]  }
0x2d: {  	s3 =	simm.s32 $0x108;
	s8 =	sld [smem:$0x3FB1]  }
0x2e: {  	s3 =	simm.s32 @!p0 $0x1082;
	s9 =	sld [smem:$0x3FB2]  }
0x2f: {  	lr =	sadd.s32 s0, s3;
	s0 =	sld [smem:$0x3FA9]  }
0x30: {  	s3 =	sld [smem:$0x3FAC]  }
0x31: {  	[smem:$0x3FB5] =	sst s10  }
0x32: {  	s10 =	sld [smem:$0x3FB3];
	_ =	sdelay $0x3  }
0x33: {  	p0 =	seq.s32 s10, $0x1;
	s10 =	sld [smem:$0x3FB5];
	_ =	sdelay $0x3  }
0x34: {  	[smem:$0x3FB5] =	sst s10  }
0x35: {  	s10 =	sld [smem:$0x3FB4];
	_ =	sdelay $0x3  }
0x36: {  	p1 =	seq.s32 s10, $0x1;
	s10 =	sld [smem:$0x3FB5];
	_ =	sdelay $0x3  }
0x37: {  	[smem:$0x3FB5] =	sst s10  }
0x38: {  	s10 =	sld [smem:$0x3FB6]  }
0x39: {  	_ = 	snop;
	(pc) =	sbr.ind lr, $3  }
0x3a: {  	_ = 	snop  }
0x3b: {  	_ = 	snop  }
0x3c: {  	p2 =	seq.s32 s10, $0x1;
	s10 =	sld [smem:$0x3FB5]  }
0x3d: {  	_ =	shalt  }
0x3e: {  	_ =	shalt  }
0x3f: {  	_ =	shalt  }
0x40: {  	_ =	shalt  }
0x41: {  	_ =	shalt  }
0x42: {  	_ =	shalt  }
0x43: {  	_ =	shalt  }
0x44: {  	_ =	shalt  }
0x45: {  	_ =	shalt  }
0x46: {  	_ =	shalt  }
0x47: {  	_ =	shalt  }
0x48: {  	_ =	shalt  }
0x49: {  	_ =	shalt  }
0x4a: {  	_ =	shalt  }
0x4b: {  	_ =	shalt  }
0x4c: {  	_ =	shalt  }
0x4d: {  	_ =	shalt  }
0x4e: {  	_ =	shalt  }
0x4f: {  	_ =	shalt  }
0x50: {  	_ =	shalt  }
0x51: {  	_ =	shalt  }
0x52: {  	_ =	shalt  }
0x53: {  	_ =	shalt  }
0x54: {  	_ =	shalt  }
0x55: {  	_ =	shalt  }
0x56: {  	_ =	shalt  }
0x57: {  	_ =	shalt  }
0x58: {  	_ =	shalt  }
0x59: {  	_ =	shalt  }
0x5a: {  	_ =	shalt  }
0x5b: {  	_ =	shalt  }
0x5c: {  	_ =	shalt  }
0x5d: {  	_ =	shalt  }
0x5e: {  	_ =	shalt  }
0x5f: {  	_ =	shalt  }
0x60: {  	_ =	shalt  }
0x61: {  	_ =	shalt  }
0x62: {  	_ =	shalt  }
0x63: {  	_ =	shalt  }
0x64: {  	_ =	shalt  }
0x65: {  	_ =	shalt  }
0x66: {  	_ =	shalt  }
0x67: {  	_ =	shalt  }
0x68: {  	_ =	shalt  }
0x69: {  	_ =	shalt  }
0x6a: {  	_ =	shalt  }
0x6b: {  	_ =	shalt  }
0x6c: {  	_ =	shalt  }
0x6d: {  	_ =	shalt  }
0x6e: {  	_ =	shalt  }
0x6f: {  	_ =	shalt  }
0x70: {  	_ =	shalt  }
0x71: {  	_ =	shalt  }
0x72: {  	_ =	shalt  }
0x73: {  	_ =	shalt  }
0x74: {  	_ =	shalt  }
0x75: {  	_ =	shalt  }
0x76: {  	_ =	shalt  }
0x77: {  	_ =	shalt  }
0x78: {  	_ =	shalt  }
0x79: {  	_ =	shalt  }
0x7a: {  	_ =	shalt  }
0x7b: {  	_ =	shalt  }
0x7c: {  	_ =	shalt  }
0x7d: {  	_ =	shalt  }
0x7e: {  	_ =	shalt  }
0x7f: {  	_ =	shalt  }
0x80: {  	_ =	shalt  }
0x81: {  	_ =	shalt  }
0x82: {  	_ =	shalt  }
0x83: {  	_ =	shalt  }
0x84: {  	_ =	shalt  }
0x85: {  	_ =	shalt  }
0x86: {  	_ =	shalt  }
0x87: {  	_ =	shalt  }
.Lfunc_end0:
.L_simem_size_0:
called_computation_lowered:
.L_overlay_start_0:
0x88: {  	s2 =	sld [smem:$0x3FD9]  }
0x89: {  	s3 =	sld [smem:$0x3FFE];
	_ =	sdelay $0x1  }
0x8a: {  	s1 =	srdreg.scid  }
0x8b: {  	s0 =	sand.u32 $0x1, s1  }
0x8c: {  	s17 =	sshll.u32 s0, $0xA;
	s2 =	sadd.s32 s3, s2  }
0x8d: {  	s2 =	sadd.s32 s2, s17  }
0x8e: {  	[smem:$0x3FC1] =	sst s2  }
0x8f: {  	_ = 	snop  }
0x90: {  	s2 =	sld [smem:$0x3FC7]  }
0x91: {  	s18 =	sld [smem:$0x3FD0];
	(tm) =	ssettm $0x1  }
0x92: {  	s4 =	sld [smem:$0x3FFB];
	_ =	sdelay $0x3  }
0x93: {  	_ =	strace s4  }
0x94: {  	s4 =	sld [smem:$0x3FFC];
	_ =	sdelay $0x3  }
0x95: {  	_ =	strace s4  }
0x96: {  	s4 =	sld [smem:$0x3FFD];
	_ =	sdelay $0x3  }
0x97: {  	_ =	strace s4  }
0x98: {  	_ =	strace $0x8FFFFFFF  }
0x99: {  	s19 =	sld [smem:$0x3FDB];
	_ =	sdelay $0x1  }
0x9a: {  	s5 =	simm.s32 $_scs_section_size  }
0x9b: {  	s6 =	simm.s32 $_size__tile_overlayer_lowered;
	s7 =	simm.s32 $_tile_overlayer_lowered  }
0x9c: {  	s22 =	simm.s32 $0x1BFF;
	s21 =	sshll.u32 s7, $0x1;
	s4 =	sadd.s32 s5, s19  }
0x9d: {  	s8 =	simm.s32 $0x0;
	s20 =	sshll.u32 s6, $0x1;
	s6 =	sadd.s32 s21, s4  }
0x9e: {  	[timem:s8], [sflag:s22] =	dma.local [hbm:s6], s20  }
0x9f: {  	_ =	swait.ge [sflag:s22], s20  }
0xa0: {  	s5 =	ssub.s32 $0x0, s20;
	[sflag:s22] =	ssyncset.done $0x0  }
0xa1: {  	[sflag:s22] =	ssyncadd.s32 s5;
	_ =	sdelay $0x1  }
0xa2: {  	s23 =	simm.s32 $0x1B8B  }
0xa3: {  	_ =	swait.ge [sflag:s23], $0x1  }
0xa4: {  	[sflag:s23] =	ssyncset.done $0x0  }
0xa5: {  	s25 =	simm.s32 $0x1B8E;
	s24 =	sld [smem:$0x3FFE];
	[sflag:s23] =	ssyncadd.s32 $0xFFFFFFFF  }
0xa6: {  	s26 =	simm.s32 $execute0_lowered;
	[smem:$0x3FD2] =	sst s25  }
0xa7: {  	s6 =	sshll.u32 s26, $0x1;
	_ =	strace $0x80000046;
	[dreg:$0x1] =	wrdreg $0xFFFFFFFF  }
0xa8: {  	s28 =	simm.s32 $_size_execute0_lowered;
	s4 =	sadd.s32 s4, s6;
	[dreg:$0x0] =	wrdreg $0x0  }
0xa9: {  	s6 =	sshll.u32 s28, $0x1;
	[dreg:$0x2] =	wrdreg s4  }
0xaa: {  	[dreg:$0x3] =	wrdreg s6  }
0xab: {  	[dreg:$0x4] =	wrdreg $0xC0  }
0xac: {  	_ =	task [dreg:s8], $0x5FFFF  }
0xad: {  	[dreg:$0x1] =	wrdreg $0xFFFFFFFF  }
0xae: {  	[dreg:$0x0] =	wrdreg $0x60  }
0xaf: {  	[dreg:$0x2] =	wrdreg s2  }
0xb0: {  	[dreg:$0x3] =	wrdreg s18  }
0xb1: {  	[dreg:$0x4] =	wrdreg s24  }
0xb2: {  	[dreg:$0x5] =	wrdreg $0x9  }
0xb3: {  	_ =	task.clear_ibuf [dreg:s8], $0x6FFFF;
	_ =	strace $0x90000046  }
0xb4: {  	s29 =	simm.s32 $0x9;
	_ =	strace $0x80000048  }
0xb5: {  	_ =	swait.ge [sflag:s29], $0x1  }
0xb6: {  	[sflag:s29] =	ssyncadd.s32 $0xFFFFFFFF  }
0xb7: {  	_ =	strace $0x90000048  }
0xb8: {  	_ =	sfence  }
0xb9: {  	s30 =	sld [smem:$0x0];
	_ =	sdelay $0x2  }
0xba: {  	s31 =	sshll.u32 s1, $0xD;
	s1 =	sshrl.u32 s1, $0x2  }
0xbb: {  	s3 =	sand.u32 $0x4000, s31;
	s1 =	sadd.s32 s1, s30  }
0xbc: {  	s0 =	sor.u32 s3, s0;
	s1 =	sshll.u32 s1, $0x11  }
0xbd: {  	s0 =	sor.u32 s1, s0  }
0xbe: {  	s0 =	sadd.s32 $0x8F2B, s0  }
0xbf: {  	[sflag:s0] =	ssyncadd.remote.s32 $0x1  }
0xc0: {  	_ =	sfence.sel $0xFFFF  }
0xc1: {  	[dreg:$0x0] =	wrdreg $0xFFFFFFFF;
	(pc) =	sbr.abs _section_cstart, $3  }
0xc2: {  	[dreg:$0x1] =	wrdreg $0xFFFFFFFF  }
0xc3: {  	_ =	task.clear_ibuf [dreg:s8], $0x2FFFF;
	_ =	strace $0x9FFFFFFF  }
0xc4: {  	(tm) =	ssettm $0x7FFFFFFF  }
0xc5: {  	_ =	shalt  }
tec
execute0_lowered:
.L_overlay_start_1:
0x0: {  	(tag) =	ssettag $0x1  }
0x1: {  	s1 =	rddreg [dreg:$0x0]  }
0x2: {  	s5 =	rddreg [dreg:$0x1]  }
0x3: {  	s2 =	srdreg.scid;
	s0 =	stileid.u32  }
0x4: {  	s4 =	rddreg [dreg:$0x2];
	s3 =	simm.s32 $0x0;
	s15 =	simm.s32 $0x1C00  }
0x5: {  	s16 =	simm.s32 $0x1;
	s17 =	simm.s32 $0x5C00;
	s18 =	simm.s32 $0x2  }
0x6: {  	s19 =	simm.s32 $0x3;
	s20 =	simm.s32 $0x100;
	s12 =	smul.u32 $0x190000, s0  }
0x7: {  	s21 =	simm.s32 $0x4;
	s10 =	sand.u32 $0x1, s2;
	s14 =	smul.u32 $0x32000, s0  }
0x8: {  	s22 =	simm.s32 $0x1880;
	s6 =	sshll.u32 s0, $0x1;
	s13 =	smul.u32 $0xC8000, s10  }
0x9: {  	s2 =	rddreg [dreg:$0x3];
	s6 =	sor.u32 s10, s6;
	s30 =	smul.u32 $0x19000, s10  }
0xa: {  	s23 =	simm.s32 $0x0;
	[smem:$0x7FF] =	sst s3;
	s8 =	smul.u32 $0x380, s6  }
0xb: {  	s4 =	sadd.s32 $0xE00, s4;
	s7 =	ssub.s32 $0x2, s10;
	s11 =	smul.u32 $0xC8000, s6  }
0xc: {  	_ =	strace $0x80000047;
	s9 =	sshrl.u32 s7, $0x1;
	s26 =	smul.u32 $0x19000, s6  }
0xd: {  	s31 =	sadd.s32 s14, s4;
	s14 =	simm.s32 $0x80;
	s7 =	ssub.s32 s7, s9  }
0xe: {  	s12 =	sadd.s32 s13, s12;
	s13 =	simm.s32 $0x5;
	s5 =	sadd.s32 s5, s8  }
0xf: {  	s6 =	smax.u32 s7, $0x1;
	s28 =	sshrl.u32 s11, $0x3;
	s29 =	sadd.s32 s4, s26  }
0x10: {  	s11 =	sadd.s32 $0x8000, s12;
	s12 =	sadd.s32 s30, s31;
	s7 =	sadd.s32 s4, s28  }
0x11: {  	s8 =	sadd.s32 $0x800, s29;
	s10 =	sadd.s32 $0x18800, s29;
	s9 =	sadd.s32 $0x18000, s7  }
.LBB2_1:
0x12: {  	[tilespmem:s3], [sflag:$0x5] =	stream.linear.gather [hbm4b:s5+s3], $0x1900, $0x38;
	[tilespmem:$0x9C00] =	vst v63  }
0x13: {  	_ =	swait.ge [sflag:s13], $0x1900  }
0x14: {  	[sflag:s13] =	ssyncset.done $0x0  }
0x15: {  	[sflag:s13] =	ssyncadd.s32 $0xFFFFE700  }
0x16: {  	[tilespmem:s15], [sflag:$0x1] =	stream.indirect.gather [hbm4b:s1+s14], $0x80, s3, s14, $0xb8;
	[tilespmem:$0x9C00] =	vst v63  }
0x17: {  	_ =	swait.ge [sflag:s16], $0x4000  }
0x18: {  	[sflag:s16] =	ssyncset.done $0x0  }
0x19: {  	[sflag:s16] =	ssyncadd.s32 $0xFFFFC000  }
0x1a: {  	[tilespmem:s17], [sflag:$0x2] =	stream.indirect.gather [hbm4b:s1+s14], $0x80, s14, s14, $0xb8;
	[tilespmem:$0x9C00] =	vst v63  }
0x1b: {  	_ = 	snop  }
0x1c: {  	[hbm4b:s7+s3] =	stream.linear.scatter [tilespmem:s15], [sflag:$0x3], $0x4000, $0x38;
	[tilespmem:$0x9C00] =	vst v63  }
0x1d: {  	_ =	swait.ge [sflag:s18], $0x4000  }
0x1e: {  	[sflag:s18] =	ssyncset.done $0x0  }
0x1f: {  	[sflag:s18] =	ssyncadd.s32 $0xFFFFC000  }
0x20: {  	_ =	swait.ge [sflag:s19], $0x4000  }
0x21: {  	[sflag:s19] =	ssyncset.done $0x0  }
0x22: {  	[sflag:s19] =	ssyncadd.s32 $0xFFFFC000  }
0x23: {  	[tilespmem:s15], [sflag:$0x1] =	stream.indirect.gather [hbm4b:s1+s14], $0x80, s20, s14, $0xb8;
	[tilespmem:$0x9C00] =	vst v63  }
0x24: {  	_ = 	snop  }
0x25: {  	[hbm4b:s8+s3] =	stream.linear.scatter [tilespmem:s17], [sflag:$0x4], $0x4000, $0x38;
	[tilespmem:$0x9C00] =	vst v63  }
0x26: {  	_ =	swait.ge [sflag:s16], $0x4000  }
0x27: {  	[sflag:s16] =	ssyncset.done $0x0  }
0x28: {  	[sflag:s16] =	ssyncadd.s32 $0xFFFFC000  }
0x29: {  	_ =	swait.ge [sflag:s21], $0x4000  }
0x2a: {  	[sflag:s21] =	ssyncset.done $0x0  }
0x2b: {  	s24 =	simm.s32 $0x180;
	s25 =	sshrl.u32 s11, $0x3;
	[sflag:s21] =	ssyncadd.s32 $0xFFFFC000  }
0x2c: {  	[tilespmem:s17], [sflag:$0x2] =	stream.indirect.gather [hbm4b:s1+s14], $0x80, s24, s14, $0xb8;
	[tilespmem:$0x9C00] =	vst v63  }
0x2d: {  	s30 =	sadd.s32 s4, s25  }
0x2e: {  	[hbm4b:s30+s3] =	stream.linear.scatter [tilespmem:s15], [sflag:$0x3], $0x4000, $0x38;
	[tilespmem:$0x9C00] =	vst v63  }
0x2f: {  	_ =	swait.ge [sflag:s18], $0x4000  }
0x30: {  	[sflag:s18] =	ssyncset.done $0x0  }
0x31: {  	[sflag:s18] =	ssyncadd.s32 $0xFFFFC000  }
0x32: {  	s31 =	simm.s32 $0x200;
	_ =	swait.ge [sflag:s19], $0x4000  }
0x33: {  	s28 =	sadd.s32 $0x1800, s12;
	s26 =	simm.s32 $0x280;
	[sflag:s19] =	ssyncset.done $0x0  }
0x34: {  	s25 =	sadd.s32 $0x8000, s11;
	s24 =	simm.s32 $0x2800;
	[sflag:s19] =	ssyncadd.s32 $0xFFFFC000  }
0x35: {  	[tilespmem:s15], [sflag:$0x1] =	stream.indirect.gather [hbm4b:s1+s14], $0x80, s31, s14, $0xb8;
	[tilespmem:$0x9C00] =	vst v63  }
.LBB2_2:
0x36: {  	[hbm4b:s28+s3] =	stream.linear.scatter [tilespmem:s17], [sflag:$0x4], $0x4000, $0x38;
	[tilespmem:$0x9C00] =	vst v63  }
0x37: {  	s28 =	smov.u32 s24  }
0x38: {  	p0 =	sne.s32 s24, $0x17800;
	s24 =	sadd.s32 $0x1000, s24;
	_ =	swait.ge [sflag:s16], $0x4000  }
0x39: {  	[sflag:s16] =	ssyncset.done $0x0  }
0x3a: {  	[sflag:s16] =	ssyncadd.s32 $0xFFFFC000  }
0x3b: {  	_ =	swait.ge [sflag:s21], $0x4000  }
0x3c: {  	[sflag:s21] =	ssyncset.done $0x0  }
0x3d: {  	s29 =	sshrl.u32 s25, $0x3;
	[sflag:s21] =	ssyncadd.s32 $0xFFFFC000  }
0x3e: {  	[tilespmem:s17], [sflag:$0x2] =	stream.indirect.gather [hbm4b:s1+s14], $0x80, s26, s14, $0xb8;
	[tilespmem:$0x9C00] =	vst v63  }
0x3f: {  	s29 =	sadd.s32 s4, s29  }
0x40: {  	[hbm4b:s29+s3] =	stream.linear.scatter [tilespmem:s15], [sflag:$0x3], $0x4000, $0x38;
	[tilespmem:$0x9C00] =	vst v63  }
0x41: {  	_ =	swait.ge [sflag:s18], $0x4000  }
0x42: {  	[sflag:s18] =	ssyncset.done $0x0  }
0x43: {  	[sflag:s18] =	ssyncadd.s32 $0xFFFFC000  }
.Ltmp0:
0x44: {  	_ =	swait.ge [sflag:s19], $0x4000;
	(pc) =	sbr.rel @p0 .LBB2_2-.Ltmp0, $4  }
0x45: {  	[sflag:s19] =	ssyncset.done $0x0  }
0x46: {  	s29 =	sadd.s32 $0x80, s26;
	[sflag:s19] =	ssyncadd.s32 $0xFFFFC000  }
0x47: {  	[tilespmem:s15], [sflag:$0x1] =	stream.indirect.gather [hbm4b:s1+s14], $0x80, s29, s14, $0xb8;
	[tilespmem:$0x9C00] =	vst v63  }
0x48: {  	s25 =	sadd.s32 $0x8000, s25;
	s28 =	sadd.s32 s28, s12;
	s26 =	sadd.s32 $0x100, s26  }
0x49: {  	[hbm4b:s28+s3] =	stream.linear.scatter [tilespmem:s17], [sflag:$0x4], $0x4000, $0x38;
	[tilespmem:$0x9C00] =	vst v63  }
0x4a: {  	_ =	swait.ge [sflag:s16], $0x4000  }
0x4b: {  	[sflag:s16] =	ssyncset.done $0x0  }
0x4c: {  	[sflag:s16] =	ssyncadd.s32 $0xFFFFC000  }
0x4d: {  	_ =	swait.ge [sflag:s21], $0x4000  }
0x4e: {  	[sflag:s21] =	ssyncset.done $0x0  }
0x4f: {  	[sflag:s21] =	ssyncadd.s32 $0xFFFFC000  }
0x50: {  	[tilespmem:s17], [sflag:$0x2] =	stream.indirect.gather [hbm4b:s1+s14], $0x80, s22, s14, $0xb8;
	[tilespmem:$0x9C00] =	vst v63  }
0x51: {  	_ = 	snop  }
0x52: {  	[hbm4b:s9+s3] =	stream.linear.scatter [tilespmem:s15], [sflag:$0x3], $0x4000, $0x38;
	[tilespmem:$0x9C00] =	vst v63  }
0x53: {  	_ =	swait.ge [sflag:s18], $0x4000  }
0x54: {  	[sflag:s18] =	ssyncset.done $0x0  }
0x55: {  	[sflag:s18] =	ssyncadd.s32 $0xFFFFC000  }
0x56: {  	s23 =	sadd.s32 $0x1, s23;
	_ =	swait.ge [sflag:s19], $0x4000  }
0x57: {  	p0 =	sne.s32 s23, s6;
	[sflag:s19] =	ssyncset.done $0x0  }
.Ltmp1:
0x58: {  	[sflag:s19] =	ssyncadd.s32 $0xFFFFC000;
	(pc) =	sbr.rel @p0 .LBB2_1-.Ltmp1, $4  }
0x59: {  	[hbm4b:s10+s3] =	stream.linear.scatter [tilespmem:s17], [sflag:$0x4], $0x4000, $0x38;
	[tilespmem:$0x9C00] =	vst v63  }
0x5a: {  	_ =	swait.ge [sflag:s21], $0x4000  }
0x5b: {  	[sflag:s21] =	ssyncset.done $0x0  }
0x5c: {  	[sflag:s21] =	ssyncadd.s32 $0xFFFFC000  }
0x5d: {  	_ =	sfence.sel $0x180000  }
0x5e: {  	[bflag:$0x0] =	sbarrier.arrive $0xFFFF  }
0x5f: {  	p0 =	sne.s32 s0, $0x0;
	_ =	strace $0x90000047  }
0x60: {  	s0 =	sadd.s32 @!p0 $0x100000, s2;
	[bflag:$0x2] =	sbarrier.arrive $0xFFFF  }
0x61: {  	[sflag:s0] =	ssyncadd.tile.s32 @!p0 $0x1;
	_ =	shalt  }
.Lfunc_end2:
_tile_overlayer_lowered:
.L_overlay_start_2:
0x62: {  	(tag) =	ssettag $0x2  }
0x63: {  	s0 =	rddreg [dreg:$0x0];
	s2 =	stileid.u32  }
0x64: {  	s1 =	rddreg [dreg:$0x1];
	p0 =	sne.s32 s2, $0x0  }
0x65: {  	s3 =	rddreg [dreg:$0x2];
	[bflag:$0x3] =	sbarrier.arrive $0xFFFF;
	s2 =	simm.s32 @!p0 $0x1C05  }
0x66: {  	[timem:s3], [sflag:s2] =	dma.local @!p0 [hbm:s0], s1  }
0x67: {  	s0 =	simm.s32 @!p0 $0x5  }
0x68: {  	_ =	swait.ge @!p0 [sflag:s0], s1  }
0x69: {  	s1 =	ssub.s32 @!p0 $0x0, s1;
	[sflag:s0] =	ssyncset.done @!p0 $0x0  }
0x6a: {  	[sflag:s0] =	ssyncadd.s32 @!p0 s1  }
0x6b: {  	[bflag:$0x3] =	sbarrier.arrive $0xFFFF  }
0x6c: {  	_ =	shalt  }

</sc_bundles>
